<compile_context>
chip_gen: v7x
topology: tpu7x:2x2x1
jax: 0.10.2.dev20260603
libtpu: 0.0.44.dev20260713+nightly
codegen_flags: <defaults>
</compile_context>

<pallas_src>
import functools

import jax
import jax.numpy as jnp
import numpy as np
from jax import lax
from jax.experimental import pallas as pl
from jax.experimental.pallas import tpu as pltpu
from jax.experimental.pallas import tpu_sc as plsc

_N = 1048576
_G = 128
_NC = 2
_NS = 16
_NW = _NC * _NS
_B = _N // _NW
_L = 16
_NCH = 4
_CH = _B // _NCH
_EPS = np.float32(1e-10)
_SCALE = np.float32(_G - 1)
_GM2U = np.uint32(_G - 2)
_UNROLL = 4


def _tec_body(obs_hbm, grid_hbm, out_hbm, obs_v, grid_v, out_v,
              gsem, osem, *isems):
    wid = lax.axis_index("s") * _NC + lax.axis_index("c")
    base = wid * _B
    cg = pltpu.async_copy(grid_hbm, grid_v, gsem)
    ins = [
        pltpu.async_copy(
            obs_hbm.at[pl.ds(2 * (base + c * _CH), 2 * _CH)],
            obs_v.at[pl.ds(2 * c * _CH, 2 * _CH)],
            isems[c])
        for c in range(_NCH)
    ]
    cg.wait()
    for c in ins:
        c.wait()
    _chunk(obs_v, grid_v, out_v, 0)
    pltpu.sync_copy(out_v, out_hbm.at[0, pl.ds(base, _B)])


def _chunk(obs_v, grid_v, out_v, start):
    @plsc.parallel_loop(start, start + _B, _L, unroll=_UNROLL)
    def _loop(o):
        addr = o + ((o >> 7) << 7)
        u = obs_v[pl.ds(addr, _L)]
        v = obs_v[pl.ds(addr + 128, _L)]

        fu = jnp.maximum(u, _EPS) * _SCALE
        fv = jnp.maximum(v, _EPS) * _SCALE
        i0u = plsc.bitcast(
            jnp.minimum(plsc.bitcast(fu.astype(jnp.int32), jnp.uint32), _GM2U),
            jnp.int32)
        i0v = plsc.bitcast(
            jnp.minimum(plsc.bitcast(fv.astype(jnp.int32), jnp.uint32), _GM2U),
            jnp.int32)
        du = fu - i0u.astype(jnp.float32)
        dv = fv - i0v.astype(jnp.float32)

        a00 = (i0u << 7) + i0v
        a10 = a00 + _G
        g00 = plsc.load_gather(grid_v, [a00])
        g01 = plsc.load_gather(grid_v, [a00 + 1])
        g10 = plsc.load_gather(grid_v, [a10])
        g11 = plsc.load_gather(grid_v, [a10 + 1])

        top = g00 + (g01 - g00) * dv
        bot = g10 + (g11 - g10) * dv
        res = top + (bot - top) * du
        out_v[pl.ds(o, _L)] = jnp.maximum(res, np.float32(0.0))


def kernel(obs, pdf_grid):
    mesh = plsc.VectorSubcoreMesh(core_axis_name="c", subcore_axis_name="s")
    run = functools.partial(
        pl.kernel,
        mesh=mesh,
        out_type=jax.ShapeDtypeStruct((1, _N), jnp.float32),
        compiler_params=pltpu.CompilerParams(
            needs_layout_passes=False, use_tc_tiling_on_sc=False),
        scratch_types=[
            pltpu.VMEM((2 * _B,), jnp.float32),
            pltpu.VMEM((_G * _G,), jnp.float32),
            pltpu.VMEM((_B,), jnp.float32),
        ] + [pltpu.SemaphoreType.DMA] * (2 + _NCH),
    )(_tec_body)
    obs_flat = obs.reshape(_N // _G, _G, 2).transpose(0, 2, 1).reshape(-1)
    return run(obs_flat, pdf_grid.reshape(-1)).reshape(_N, 1)

# --- scband reference (transcript-rebuilt; emitter-appended) ---
"""Pipeline reference for scband-bi-cop-56590489092473 (READ-ONLY COPY).

The authoritative reference and input builder live on the scoring server;
editing this copy changes nothing except your own understanding.
"""

import jax, jax.numpy as jnp
import numpy as np

NUM_STEP_GRID = 128
EPS = 1e-10


def setup_inputs(seed: int = 0) -> dict:
    key = jax.random.key(seed)
    k1, k2 = jax.random.split(key)
    obs = jax.random.uniform(k1, (1048576, 2), dtype=jnp.float32)
    # learned/fitted buffer: the pdf grid (module registers it sized [num_step_grid, num_step_grid]).
    # Use a strictly-positive random grid to emulate a fitted (non-independence) copula.
    pdf_grid = jax.random.uniform(k2, (NUM_STEP_GRID, NUM_STEP_GRID), dtype=jnp.float32) + 0.5
    return {"obs": obs, "pdf_grid": pdf_grid}


def reference(obs, pdf_grid):
    # Faithful translation of BiCop._interp followed by pdf()'s unsqueeze(dim=1),
    # i.e. the fitted (is_indep=False) evaluation path.
    target = NUM_STEP_GRID - 1.0
    step_grid = 1.0 / target
    idx = jnp.clip(obs, EPS, 1.0 - EPS) / step_grid
    i0 = jnp.floor(idx).astype(jnp.int32)
    di = idx - i0.astype(idx.dtype)
    i1 = jnp.minimum(i0 + 1, jnp.int32(target))
    g00 = pdf_grid[i0[:, 0], i0[:, 1]]
    g10 = pdf_grid[i1[:, 0], i0[:, 1]]
    g01 = pdf_grid[i0[:, 0], i1[:, 1]]
    g11 = pdf_grid[i1[:, 0], i1[:, 1]]
    out = (g00
           + (g10 - g00) * di[:, 0]
           + (g01 - g00) * di[:, 1]
           + (g11 - g01 - g10 + g00) * di[:, 0] * di[:, 1])
    out = jnp.maximum(out, 0.0)
    return out[:, None]

if __name__ == "__main__":
    import jax
    _d = setup_inputs()
    print(jax.jit(kernel)(*tuple(_d.values())))

</pallas_src>

<mosaic_0001>
#map = affine_map<(d0, d1) -> (0)>
#map1 = affine_map<(d0, d1) -> (0, 0)>
module attributes {stable_mosaic.version = 14 : i64} {
  func.func @_tec_body(%arg0: i32, %arg1: i32, %arg2: memref<2097152xf32, #tpu.memory_space<hbm>>, %arg3: memref<16384xf32, #tpu.memory_space<hbm>>, %arg4: memref<1x1048576xf32, #tpu.memory_space<hbm>>, %arg5: memref<65536xf32, #tpu.memory_space<vmem>>, %arg6: memref<16384xf32, #tpu.memory_space<vmem>>, %arg7: memref<32768xf32, #tpu.memory_space<vmem>>, %arg8: memref<!tpu.dma_semaphore, #tpu.memory_space<semaphore_mem>>, %arg9: memref<!tpu.dma_semaphore, #tpu.memory_space<semaphore_mem>>, %arg10: memref<!tpu.dma_semaphore, #tpu.memory_space<semaphore_mem>>, %arg11: memref<!tpu.dma_semaphore, #tpu.memory_space<semaphore_mem>>, %arg12: memref<!tpu.dma_semaphore, #tpu.memory_space<semaphore_mem>>, %arg13: memref<!tpu.dma_semaphore, #tpu.memory_space<semaphore_mem>>) attributes {dimension_semantics = [#tpu.dimension_semantics<core_parallel>, #tpu.dimension_semantics<subcore_parallel>], iteration_bounds = array<i64: 2, 16>, scalar_prefetch = 0 : i64, scratch_operands = 9 : i64, tpu.core_type = #tpu.core_type<sc_vector_subcore>, window_params = [{transform_indices = #map}, {transform_indices = #map}, {transform_indices = #map1}]} {
    %mul3A = arith.constant 2 : i32
    %mul3A_0 = arith.muli %arg1, %mul3A : i32
    %add3A = arith.addi %mul3A_0, %arg0 : i32
    %mul3A_1 = arith.constant 32768 : i32
    %mul3A_2 = arith.muli %add3A, %mul3A_1 : i32
    tpu.enqueue_dma source(%arg3 : memref<16384xf32, #tpu.memory_space<hbm>>) target(%arg6 : memref<16384xf32, #tpu.memory_space<vmem>>) target_semaphore(%arg8 : memref<!tpu.dma_semaphore, #tpu.memory_space<semaphore_mem>>)
    %add3A_3 = arith.constant 0 : i32
    %add3A_4 = arith.addi %mul3A_2, %add3A_3 : i32
    %mul3A_5 = arith.constant 2 : i32
    %mul3A_6 = arith.muli %mul3A_5, %add3A_4 : i32
    %dma_start3A = arith.constant 0 : i32
    %dma_start3A_7 = tpu.memref_slice %arg5[%dma_start3A] : memref<65536xf32, #tpu.memory_space<vmem>> -> memref<16384xf32, #tpu.memory_space<vmem>>
    %dma_start3A_8 = tpu.memref_slice %arg2[%mul3A_6] : memref<2097152xf32, #tpu.memory_space<hbm>> -> memref<16384xf32, #tpu.memory_space<hbm>>
    %dma_start3A_9 = arith.constant 0 : i32
    %dma_start3A_10 = tpu.memref_slice %arg5[%dma_start3A_9] : memref<65536xf32, #tpu.memory_space<vmem>> -> memref<16384xf32, #tpu.memory_space<vmem>>
    %dma_start3A_11 = tpu.memref_slice %arg2[%mul3A_6] : memref<2097152xf32, #tpu.memory_space<hbm>> -> memref<16384xf32, #tpu.memory_space<hbm>>
    tpu.enqueue_dma source(%dma_start3A_11 : memref<16384xf32, #tpu.memory_space<hbm>>) target(%dma_start3A_10 : memref<16384xf32, #tpu.memory_space<vmem>>) target_semaphore(%arg10 : memref<!tpu.dma_semaphore, #tpu.memory_space<semaphore_mem>>)
    %add3A_12 = arith.constant 8192 : i32
    %add3A_13 = arith.addi %mul3A_2, %add3A_12 : i32
    %mul3A_14 = arith.constant 2 : i32
    %mul3A_15 = arith.muli %mul3A_14, %add3A_13 : i32
    %dma_start3A_16 = arith.constant 16384 : i32
    %dma_start3A_17 = tpu.memref_slice %arg5[%dma_start3A_16] : memref<65536xf32, #tpu.memory_space<vmem>> -> memref<16384xf32, #tpu.memory_space<vmem>>
    %dma_start3A_18 = tpu.memref_slice %arg2[%mul3A_15] : memref<2097152xf32, #tpu.memory_space<hbm>> -> memref<16384xf32, #tpu.memory_space<hbm>>
    %dma_start3A_19 = arith.constant 16384 : i32
    %dma_start3A_20 = tpu.memref_slice %arg5[%dma_start3A_19] : memref<65536xf32, #tpu.memory_space<vmem>> -> memref<16384xf32, #tpu.memory_space<vmem>>
    %dma_start3A_21 = tpu.memref_slice %arg2[%mul3A_15] : memref<2097152xf32, #tpu.memory_space<hbm>> -> memref<16384xf32, #tpu.memory_space<hbm>>
    tpu.enqueue_dma source(%dma_start3A_21 : memref<16384xf32, #tpu.memory_space<hbm>>) target(%dma_start3A_20 : memref<16384xf32, #tpu.memory_space<vmem>>) target_semaphore(%arg11 : memref<!tpu.dma_semaphore, #tpu.memory_space<semaphore_mem>>)
    %add3A_22 = arith.constant 16384 : i32
    %add3A_23 = arith.addi %mul3A_2, %add3A_22 : i32
    %mul3A_24 = arith.constant 2 : i32
    %mul3A_25 = arith.muli %mul3A_24, %add3A_23 : i32
    %dma_start3A_26 = arith.constant 32768 : i32
    %dma_start3A_27 = tpu.memref_slice %arg5[%dma_start3A_26] : memref<65536xf32, #tpu.memory_space<vmem>> -> memref<16384xf32, #tpu.memory_space<vmem>>
    %dma_start3A_28 = tpu.memref_slice %arg2[%mul3A_25] : memref<2097152xf32, #tpu.memory_space<hbm>> -> memref<16384xf32, #tpu.memory_space<hbm>>
    %dma_start3A_29 = arith.constant 32768 : i32
    %dma_start3A_30 = tpu.memref_slice %arg5[%dma_start3A_29] : memref<65536xf32, #tpu.memory_space<vmem>> -> memref<16384xf32, #tpu.memory_space<vmem>>
    %dma_start3A_31 = tpu.memref_slice %arg2[%mul3A_25] : memref<2097152xf32, #tpu.memory_space<hbm>> -> memref<16384xf32, #tpu.memory_space<hbm>>
    tpu.enqueue_dma source(%dma_start3A_31 : memref<16384xf32, #tpu.memory_space<hbm>>) target(%dma_start3A_30 : memref<16384xf32, #tpu.memory_space<vmem>>) target_semaphore(%arg12 : memref<!tpu.dma_semaphore, #tpu.memory_space<semaphore_mem>>)
    %add3A_32 = arith.constant 24576 : i32
    %add3A_33 = arith.addi %mul3A_2, %add3A_32 : i32
    %mul3A_34 = arith.constant 2 : i32
    %mul3A_35 = arith.muli %mul3A_34, %add3A_33 : i32
    %dma_start3A_36 = arith.constant 49152 : i32
    %dma_start3A_37 = tpu.memref_slice %arg5[%dma_start3A_36] : memref<65536xf32, #tpu.memory_space<vmem>> -> memref<16384xf32, #tpu.memory_space<vmem>>
    %dma_start3A_38 = tpu.memref_slice %arg2[%mul3A_35] : memref<2097152xf32, #tpu.memory_space<hbm>> -> memref<16384xf32, #tpu.memory_space<hbm>>
    %dma_start3A_39 = arith.constant 49152 : i32
    %dma_start3A_40 = tpu.memref_slice %arg5[%dma_start3A_39] : memref<65536xf32, #tpu.memory_space<vmem>> -> memref<16384xf32, #tpu.memory_space<vmem>>
    %dma_start3A_41 = tpu.memref_slice %arg2[%mul3A_35] : memref<2097152xf32, #tpu.memory_space<hbm>> -> memref<16384xf32, #tpu.memory_space<hbm>>
    tpu.enqueue_dma source(%dma_start3A_41 : memref<16384xf32, #tpu.memory_space<hbm>>) target(%dma_start3A_40 : memref<16384xf32, #tpu.memory_space<vmem>>) target_semaphore(%arg13 : memref<!tpu.dma_semaphore, #tpu.memory_space<semaphore_mem>>)
    tpu.wait_dma2 semaphore(%arg8 : memref<!tpu.dma_semaphore, #tpu.memory_space<semaphore_mem>>) src(%arg3 : memref<16384xf32, #tpu.memory_space<hbm>>) dst(%arg6 : memref<16384xf32, #tpu.memory_space<vmem>>)
    %dma_wait3A = arith.constant 0 : i32
    %dma_wait3A_42 = tpu.memref_slice %arg5[%dma_wait3A] : memref<65536xf32, #tpu.memory_space<vmem>> -> memref<16384xf32, #tpu.memory_space<vmem>>
    %dma_wait3A_43 = tpu.memref_slice %arg2[%mul3A_6] : memref<2097152xf32, #tpu.memory_space<hbm>> -> memref<16384xf32, #tpu.memory_space<hbm>>
    %dma_wait3A_44 = arith.constant 0 : i32
    %dma_wait3A_45 = tpu.memref_slice %arg5[%dma_wait3A_44] : memref<65536xf32, #tpu.memory_space<vmem>> -> memref<16384xf32, #tpu.memory_space<vmem>>
    %dma_wait3A_46 = tpu.memref_slice %arg2[%mul3A_6] : memref<2097152xf32, #tpu.memory_space<hbm>> -> memref<16384xf32, #tpu.memory_space<hbm>>
    tpu.wait_dma2 semaphore(%arg10 : memref<!tpu.dma_semaphore, #tpu.memory_space<semaphore_mem>>) src(%dma_wait3A_46 : memref<16384xf32, #tpu.memory_space<hbm>>) dst(%dma_wait3A_45 : memref<16384xf32, #tpu.memory_space<vmem>>)
    %dma_wait3A_47 = arith.constant 16384 : i32
    %dma_wait3A_48 = tpu.memref_slice %arg5[%dma_wait3A_47] : memref<65536xf32, #tpu.memory_space<vmem>> -> memref<16384xf32, #tpu.memory_space<vmem>>
    %dma_wait3A_49 = tpu.memref_slice %arg2[%mul3A_15] : memref<2097152xf32, #tpu.memory_space<hbm>> -> memref<16384xf32, #tpu.memory_space<hbm>>
    %dma_wait3A_50 = arith.constant 16384 : i32
    %dma_wait3A_51 = tpu.memref_slice %arg5[%dma_wait3A_50] : memref<65536xf32, #tpu.memory_space<vmem>> -> memref<16384xf32, #tpu.memory_space<vmem>>
    %dma_wait3A_52 = tpu.memref_slice %arg2[%mul3A_15] : memref<2097152xf32, #tpu.memory_space<hbm>> -> memref<16384xf32, #tpu.memory_space<hbm>>
    tpu.wait_dma2 semaphore(%arg11 : memref<!tpu.dma_semaphore, #tpu.memory_space<semaphore_mem>>) src(%dma_wait3A_52 : memref<16384xf32, #tpu.memory_space<hbm>>) dst(%dma_wait3A_51 : memref<16384xf32, #tpu.memory_space<vmem>>)
    %dma_wait3A_53 = arith.constant 32768 : i32
    %dma_wait3A_54 = tpu.memref_slice %arg5[%dma_wait3A_53] : memref<65536xf32, #tpu.memory_space<vmem>> -> memref<16384xf32, #tpu.memory_space<vmem>>
    %dma_wait3A_55 = tpu.memref_slice %arg2[%mul3A_25] : memref<2097152xf32, #tpu.memory_space<hbm>> -> memref<16384xf32, #tpu.memory_space<hbm>>
    %dma_wait3A_56 = arith.constant 32768 : i32
    %dma_wait3A_57 = tpu.memref_slice %arg5[%dma_wait3A_56] : memref<65536xf32, #tpu.memory_space<vmem>> -> memref<16384xf32, #tpu.memory_space<vmem>>
    %dma_wait3A_58 = tpu.memref_slice %arg2[%mul3A_25] : memref<2097152xf32, #tpu.memory_space<hbm>> -> memref<16384xf32, #tpu.memory_space<hbm>>
    tpu.wait_dma2 semaphore(%arg12 : memref<!tpu.dma_semaphore, #tpu.memory_space<semaphore_mem>>) src(%dma_wait3A_58 : memref<16384xf32, #tpu.memory_space<hbm>>) dst(%dma_wait3A_57 : memref<16384xf32, #tpu.memory_space<vmem>>)
    %dma_wait3A_59 = arith.constant 49152 : i32
    %dma_wait3A_60 = tpu.memref_slice %arg5[%dma_wait3A_59] : memref<65536xf32, #tpu.memory_space<vmem>> -> memref<16384xf32, #tpu.memory_space<vmem>>
    %dma_wait3A_61 = tpu.memref_slice %arg2[%mul3A_35] : memref<2097152xf32, #tpu.memory_space<hbm>> -> memref<16384xf32, #tpu.memory_space<hbm>>
    %dma_wait3A_62 = arith.constant 49152 : i32
    %dma_wait3A_63 = tpu.memref_slice %arg5[%dma_wait3A_62] : memref<65536xf32, #tpu.memory_space<vmem>> -> memref<16384xf32, #tpu.memory_space<vmem>>
    %dma_wait3A_64 = tpu.memref_slice %arg2[%mul3A_35] : memref<2097152xf32, #tpu.memory_space<hbm>> -> memref<16384xf32, #tpu.memory_space<hbm>>
    tpu.wait_dma2 semaphore(%arg13 : memref<!tpu.dma_semaphore, #tpu.memory_space<semaphore_mem>>) src(%dma_wait3A_64 : memref<16384xf32, #tpu.memory_space<hbm>>) dst(%dma_wait3A_63 : memref<16384xf32, #tpu.memory_space<vmem>>)
    %parallel_loop3A = arith.constant 0 : i32
    %parallel_loop3A_65 = arith.constant 32768 : i32
    %parallel_loop3A_66 = arith.constant 16 : i32
    scf.for %parallel_loop3A_67 = %parallel_loop3A to %parallel_loop3A_65 step %parallel_loop3A_66  : i32 {
      %parallel_loop3A_68 = arith.constant 7 : i32
      %parallel_loop3A_69 = arith.shrsi %parallel_loop3A_67, %parallel_loop3A_68 : i32
      %parallel_loop3A_70 = arith.constant 7 : i32
      %parallel_loop3A_71 = arith.shli %parallel_loop3A_69, %parallel_loop3A_70 : i32
      %parallel_loop3A_72 = arith.addi %parallel_loop3A_67, %parallel_loop3A_71 : i32
      %parallel_loop3A_73 = arith.index_cast %parallel_loop3A_72 : i32 to index
      %parallel_loop3A_74 = tpu.vector_load %arg5[%parallel_loop3A_73] {strides = array<i32>} : memref<65536xf32, #tpu.memory_space<vmem>>, vector<16xf32>,
      %parallel_loop3A_75 = arith.constant 128 : i32
      %parallel_loop3A_76 = arith.addi %parallel_loop3A_72, %parallel_loop3A_75 : i32
      %parallel_loop3A_77 = arith.index_cast %parallel_loop3A_76 : i32 to index
      %parallel_loop3A_78 = tpu.vector_load %arg5[%parallel_loop3A_77] {strides = array<i32>} : memref<65536xf32, #tpu.memory_space<vmem>>, vector<16xf32>,
      %parallel_loop3A_79 = arith.constant 1.000000e-10 : f32
      %parallel_loop3A_80 = vector.broadcast %parallel_loop3A_79 : f32 to vector<16xf32>
      %parallel_loop3A_81 = arith.maximumf %parallel_loop3A_74, %parallel_loop3A_80 : vector<16xf32>
      %parallel_loop3A_82 = arith.constant 1.270000e+02 : f32
      %parallel_loop3A_83 = vector.broadcast %parallel_loop3A_82 : f32 to vector<16xf32>
      %parallel_loop3A_84 = arith.mulf %parallel_loop3A_81, %parallel_loop3A_83 : vector<16xf32>
      %parallel_loop3A_85 = arith.constant 1.000000e-10 : f32
      %parallel_loop3A_86 = vector.broadcast %parallel_loop3A_85 : f32 to vector<16xf32>
      %parallel_loop3A_87 = arith.maximumf %parallel_loop3A_78, %parallel_loop3A_86 : vector<16xf32>
      %parallel_loop3A_88 = arith.constant 1.270000e+02 : f32
      %parallel_loop3A_89 = vector.broadcast %parallel_loop3A_88 : f32 to vector<16xf32>
      %parallel_loop3A_90 = arith.mulf %parallel_loop3A_87, %parallel_loop3A_89 : vector<16xf32>
      %parallel_loop3A_91 = arith.fptosi %parallel_loop3A_84 : vector<16xf32> to vector<16xi32>
      %parallel_loop3A_92 = vector.bitcast %parallel_loop3A_91 : vector<16xi32> to vector<16xi32>
      %parallel_loop3A_93 = arith.constant 126 : i32
      %parallel_loop3A_94 = vector.broadcast %parallel_loop3A_93 : i32 to vector<16xi32>
      %parallel_loop3A_95 = arith.minui %parallel_loop3A_92, %parallel_loop3A_94 : vector<16xi32>
      %parallel_loop3A_96 = vector.bitcast %parallel_loop3A_95 : vector<16xi32> to vector<16xi32>
      %parallel_loop3A_97 = arith.fptosi %parallel_loop3A_90 : vector<16xf32> to vector<16xi32>
      %parallel_loop3A_98 = vector.bitcast %parallel_loop3A_97 : vector<16xi32> to vector<16xi32>
      %parallel_loop3A_99 = arith.constant 126 : i32
      %parallel_loop3A_100 = vector.broadcast %parallel_loop3A_99 : i32 to vector<16xi32>
      %parallel_loop3A_101 = arith.minui %parallel_loop3A_98, %parallel_loop3A_100 : vector<16xi32>
      %parallel_loop3A_102 = vector.bitcast %parallel_loop3A_101 : vector<16xi32> to vector<16xi32>
      %parallel_loop3A_103 = arith.sitofp %parallel_loop3A_96 : vector<16xi32> to vector<16xf32>
      %parallel_loop3A_104 = arith.subf %parallel_loop3A_84, %parallel_loop3A_103 : vector<16xf32>
      %parallel_loop3A_105 = arith.sitofp %parallel_loop3A_102 : vector<16xi32> to vector<16xf32>
      %parallel_loop3A_106 = arith.subf %parallel_loop3A_90, %parallel_loop3A_105 : vector<16xf32>
      %parallel_loop3A_107 = arith.constant 7 : i32
      %parallel_loop3A_108 = vector.broadcast %parallel_loop3A_107 : i32 to vector<16xi32>
      %parallel_loop3A_109 = arith.shli %parallel_loop3A_96, %parallel_loop3A_108 : vector<16xi32>
      %parallel_loop3A_110 = arith.addi %parallel_loop3A_109, %parallel_loop3A_102 : vector<16xi32>
      %parallel_loop3A_111 = arith.constant 128 : i32
      %parallel_loop3A_112 = vector.broadcast %parallel_loop3A_111 : i32 to vector<16xi32>
      %parallel_loop3A_113 = arith.addi %parallel_loop3A_110, %parallel_loop3A_112 : vector<16xi32>
      %parallel_loop3A_114 = tpu.vector_load_idx %arg6[%parallel_loop3A_110] : memref<16384xf32, #tpu.memory_space<vmem>>[vector<16xi32>], vector<16xf32>,
      %parallel_loop3A_115 = arith.constant 1 : i32
      %parallel_loop3A_116 = vector.broadcast %parallel_loop3A_115 : i32 to vector<16xi32>
      %parallel_loop3A_117 = arith.addi %parallel_loop3A_110, %parallel_loop3A_116 : vector<16xi32>
      %parallel_loop3A_118 = tpu.vector_load_idx %arg6[%parallel_loop3A_117] : memref<16384xf32, #tpu.memory_space<vmem>>[vector<16xi32>], vector<16xf32>,
      %parallel_loop3A_119 = tpu.vector_load_idx %arg6[%parallel_loop3A_113] : memref<16384xf32, #tpu.memory_space<vmem>>[vector<16xi32>], vector<16xf32>,
      %parallel_loop3A_120 = arith.constant 1 : i32
      %parallel_loop3A_121 = vector.broadcast %parallel_loop3A_120 : i32 to vector<16xi32>
      %parallel_loop3A_122 = arith.addi %parallel_loop3A_113, %parallel_loop3A_121 : vector<16xi32>
      %parallel_loop3A_123 = tpu.vector_load_idx %arg6[%parallel_loop3A_122] : memref<16384xf32, #tpu.memory_space<vmem>>[vector<16xi32>], vector<16xf32>,
      %parallel_loop3A_124 = arith.subf %parallel_loop3A_118, %parallel_loop3A_114 : vector<16xf32>
      %parallel_loop3A_125 = arith.mulf %parallel_loop3A_124, %parallel_loop3A_106 : vector<16xf32>
      %parallel_loop3A_126 = arith.addf %parallel_loop3A_114, %parallel_loop3A_125 : vector<16xf32>
      %parallel_loop3A_127 = arith.subf %parallel_loop3A_123, %parallel_loop3A_119 : vector<16xf32>
      %parallel_loop3A_128 = arith.mulf %parallel_loop3A_127, %parallel_loop3A_106 : vector<16xf32>
      %parallel_loop3A_129 = arith.addf %parallel_loop3A_119, %parallel_loop3A_128 : vector<16xf32>
      %parallel_loop3A_130 = arith.subf %parallel_loop3A_129, %parallel_loop3A_126 : vector<16xf32>
      %parallel_loop3A_131 = arith.mulf %parallel_loop3A_130, %parallel_loop3A_104 : vector<16xf32>
      %parallel_loop3A_132 = arith.addf %parallel_loop3A_126, %parallel_loop3A_131 : vector<16xf32>
      %parallel_loop3A_133 = arith.constant 0.000000e+00 : f32
      %parallel_loop3A_134 = vector.broadcast %parallel_loop3A_133 : f32 to vector<16xf32>
      %parallel_loop3A_135 = arith.maximumf %parallel_loop3A_132, %parallel_loop3A_134 : vector<16xf32>
      %parallel_loop3A_136 = arith.index_cast %parallel_loop3A_67 : i32 to index
      %parallel_loop3A_137 = tpu.vector_load %arg7[%parallel_loop3A_136] {strides = array<i32>} : memref<32768xf32, #tpu.memory_space<vmem>>, vector<16xf32>,
      tpu.vector_store %arg7[%parallel_loop3A_136], %parallel_loop3A_135 {strides = array<i32>} : memref<32768xf32, #tpu.memory_space<vmem>>, vector<16xf32>,
    } {sc.loop_unroll_factor = 4 : i64, sc.parallel_access}
    %run_scoped3A = arith.constant 0 : i32
    "tpu.region"() ({
      %run_scoped3A_67 = tpu.sem_alloc : memref<!tpu.dma_semaphore, #tpu.memory_space<semaphore_mem>>
      %dma_start3A_68 = tpu.memref_slice %arg4[%run_scoped3A, %mul3A_2] : memref<1x1048576xf32, #tpu.memory_space<hbm>> -> memref<1x32768xf32, #tpu.memory_space<hbm>>
      %dma_start3A_69 = tpu.memref_squeeze %dma_start3A_68 : memref<1x32768xf32, #tpu.memory_space<hbm>> -> memref<32768xf32, #tpu.memory_space<hbm>>
      %dma_start3A_70 = tpu.memref_slice %arg4[%run_scoped3A, %mul3A_2] : memref<1x1048576xf32, #tpu.memory_space<hbm>> -> memref<1x32768xf32, #tpu.memory_space<hbm>>
      %dma_start3A_71 = tpu.memref_squeeze %dma_start3A_70 : memref<1x32768xf32, #tpu.memory_space<hbm>> -> memref<32768xf32, #tpu.memory_space<hbm>>
      tpu.enqueue_dma source(%arg7 : memref<32768xf32, #tpu.memory_space<vmem>>) target(%dma_start3A_71 : memref<32768xf32, #tpu.memory_space<hbm>>) target_semaphore(%run_scoped3A_67 : memref<!tpu.dma_semaphore, #tpu.memory_space<semaphore_mem>>)
      %dma_wait3A_72 = tpu.memref_slice %arg4[%run_scoped3A, %mul3A_2] : memref<1x1048576xf32, #tpu.memory_space<hbm>> -> memref<1x32768xf32, #tpu.memory_space<hbm>>
      %dma_wait3A_73 = tpu.memref_squeeze %dma_wait3A_72 : memref<1x32768xf32, #tpu.memory_space<hbm>> -> memref<32768xf32, #tpu.memory_space<hbm>>
      %dma_wait3A_74 = tpu.memref_slice %arg4[%run_scoped3A, %mul3A_2] : memref<1x1048576xf32, #tpu.memory_space<hbm>> -> memref<1x32768xf32, #tpu.memory_space<hbm>>
      %dma_wait3A_75 = tpu.memref_squeeze %dma_wait3A_74 : memref<1x32768xf32, #tpu.memory_space<hbm>> -> memref<32768xf32, #tpu.memory_space<hbm>>
      tpu.wait_dma2 semaphore(%run_scoped3A_67 : memref<!tpu.dma_semaphore, #tpu.memory_space<semaphore_mem>>) src(%arg7 : memref<32768xf32, #tpu.memory_space<vmem>>) dst(%dma_wait3A_75 : memref<32768xf32, #tpu.memory_space<hbm>>)
      tpu.yield
    }) : () -> ()
    return
  }
}

</mosaic_0001>

<sc_bundles>
// kernel: kernel.3.cloned.1.call-start
scs
__scs_entry_jumppad:
0x0: {  	(pc) =	sbr.rel $0x88, $3  }
0x1: {  	(tag) =	ssettag $0x0;
	lr =	simm.s32 $0x1  }
0x2: {  	[smem:$0x3F9F] =	sst lr;
	_ =	strace $0xD0000000  }
0x3: {  	_ = 	snop  }
0x4: {  	_ = 	snop  }
0x5: {  	_ = 	snop  }
0x6: {  	_ = 	snop  }
0x7: {  	_ = 	snop  }
__scs_overlays_trampoline_lowered:
0x8: {  	[smem:$0x3FAE] =	sst s0  }
0x9: {  	[smem:$0x3FAF] =	sst s1  }
0xa: {  	[smem:$0x3FB0] =	sst s2  }
0xb: {  	[smem:$0x3FB1] =	sst s3  }
0xc: {  	[smem:$0x3FB2] =	sst s4  }
0xd: {  	[smem:$0x3FB3] =	sst s5  }
0xe: {  	[smem:$0x3FB4] =	sst s6  }
0xf: {  	[smem:$0x3FB5] =	sst s7  }
0x10: {  	[smem:$0x3FB6] =	sst s8  }
0x11: {  	[smem:$0x3FB7] =	sst s9;
	s0 =	simm.s32 @!p0 $0x0  }
0x12: {  	s1 =	sld [smem:$0x3F9D];
	s0 =	simm.s32 @p0 $0x1  }
0x13: {  	[smem:$0x3FB8] =	sst s0;
	s0 =	simm.s32 @!p1 $0x0  }
0x14: {  	s2 =	sld [smem:$0x3F9C];
	s0 =	simm.s32 @p1 $0x1  }
0x15: {  	[smem:$0x3FB9] =	sst s0;
	s0 =	simm.s32 @!p2 $0x0  }
0x16: {  	s3 =	sld [smem:$0x3FDB];
	s0 =	simm.s32 @p2 $0x1  }
0x17: {  	s4 =	simm.s32 $0x1BF5;
	[smem:$0x3FBB] =	sst s0  }
0x18: {  	s0 =	sld [smem:$0x3F9E];
	_ =	swait.ge [sflag:s4], $0x0  }
0x19: {  	s7 =	sld [smem:$0x3F9F]  }
0x1a: {  	s8 =	sadd.s32 $0xFFFFE003, lr  }
0x1b: {  	s9 =	sadd.s32 $0xFFFFFEF7, lr;
	s5 =	simm.s32 $0xFFFFFFFF;
	p2 =	slt.u32 s8, $0xFFFFF086  }
0x1c: {  	p1 =	slt.u32 s9, $0xF7A;
	s5 =	simm.s32 @!p2 $0x0  }
0x1d: {  	s5 =	simm.s32 @p1 $0x1;
	p0 =	seq.s32 s7, s2  }
0x1e: {  	s7 =	smul.u32 @!p0 $0xF7A, s2;
	p2 =	seq.s32 @!p0 s5, $0x0  }
0x1f: {  	s9 =	smul.u32 $0xF7A, s1;
	s8 =	simm.s32 @!p0 $0x1BF5;
	p2 =	por !p2, p0  }
0x20: {  	[sflag:s8] =	ssyncset.s32 @!p0 $0xFFFFF086;
	s6 =	sadd.s32 @!p0 s3, s7;
	s7 =	simm.s32 @!p0 $0x108  }
0x21: {  	s3 =	sadd.s32 s3, s9;
	s6 =	sadd.s32 @!p0 $0x88, s6;
	s7 =	simm.s32 @p2 $0x1082  }
0x22: {  	[simem:s7], [sflag:s8] =	dma.local @!p0 [hbm:s6], $0xF7A  }
0x23: {  	s9 =	sor.u32 $0xD0000000, s2;
	s6 =	simm.s32 $0x108;
	_ =	swait.ge @!p0 [sflag:s8], $0x0  }
0x24: {  	s3 =	sadd.s32 $0x88, s3;
	s6 =	simm.s32 @!p1 $0x1082;
	[sflag:s4] =	ssyncset.s32 $0xFFFFF086  }
0x25: {  	[simem:s6], [sflag:s4] =	dma.local [hbm:s3], $0xF7A  }
0x26: {  	[smem:$0x3F9F] =	sst s1;
	(tag) =	ssettag s2;
	_ =	strace s9  }
0x27: {  	s1 =	sld [smem:$0x3FAF]  }
0x28: {  	s2 =	sld [smem:$0x3FB0]  }
0x29: {  	s4 =	sld [smem:$0x3FB2]  }
0x2a: {  	p0 =	seq.s32 s5, $0x0;
	s5 =	sld [smem:$0x3FB3]  }
0x2b: {  	s6 =	sld [smem:$0x3FB4]  }
0x2c: {  	s7 =	sld [smem:$0x3FB5]  }
0x2d: {  	s3 =	simm.s32 $0x108;
	s8 =	sld [smem:$0x3FB6]  }
0x2e: {  	s3 =	simm.s32 @!p0 $0x1082;
	s9 =	sld [smem:$0x3FB7]  }
0x2f: {  	lr =	sadd.s32 s0, s3;
	s0 =	sld [smem:$0x3FAE]  }
0x30: {  	s3 =	sld [smem:$0x3FB1]  }
0x31: {  	[smem:$0x3FBA] =	sst s10  }
0x32: {  	s10 =	sld [smem:$0x3FB8];
	_ =	sdelay $0x3  }
0x33: {  	p0 =	seq.s32 s10, $0x1;
	s10 =	sld [smem:$0x3FBA];
	_ =	sdelay $0x3  }
0x34: {  	[smem:$0x3FBA] =	sst s10  }
0x35: {  	s10 =	sld [smem:$0x3FB9];
	_ =	sdelay $0x3  }
0x36: {  	p1 =	seq.s32 s10, $0x1;
	s10 =	sld [smem:$0x3FBA];
	_ =	sdelay $0x3  }
0x37: {  	[smem:$0x3FBA] =	sst s10  }
0x38: {  	s10 =	sld [smem:$0x3FBB]  }
0x39: {  	_ = 	snop;
	(pc) =	sbr.ind lr, $3  }
0x3a: {  	_ = 	snop  }
0x3b: {  	_ = 	snop  }
0x3c: {  	p2 =	seq.s32 s10, $0x1;
	s10 =	sld [smem:$0x3FBA]  }
0x3d: {  	_ =	shalt  }
0x3e: {  	_ =	shalt  }
0x3f: {  	_ =	shalt  }
0x40: {  	_ =	shalt  }
0x41: {  	_ =	shalt  }
0x42: {  	_ =	shalt  }
0x43: {  	_ =	shalt  }
0x44: {  	_ =	shalt  }
0x45: {  	_ =	shalt  }
0x46: {  	_ =	shalt  }
0x47: {  	_ =	shalt  }
0x48: {  	_ =	shalt  }
0x49: {  	_ =	shalt  }
0x4a: {  	_ =	shalt  }
0x4b: {  	_ =	shalt  }
0x4c: {  	_ =	shalt  }
0x4d: {  	_ =	shalt  }
0x4e: {  	_ =	shalt  }
0x4f: {  	_ =	shalt  }
0x50: {  	_ =	shalt  }
0x51: {  	_ =	shalt  }
0x52: {  	_ =	shalt  }
0x53: {  	_ =	shalt  }
0x54: {  	_ =	shalt  }
0x55: {  	_ =	shalt  }
0x56: {  	_ =	shalt  }
0x57: {  	_ =	shalt  }
0x58: {  	_ =	shalt  }
0x59: {  	_ =	shalt  }
0x5a: {  	_ =	shalt  }
0x5b: {  	_ =	shalt  }
0x5c: {  	_ =	shalt  }
0x5d: {  	_ =	shalt  }
0x5e: {  	_ =	shalt  }
0x5f: {  	_ =	shalt  }
0x60: {  	_ =	shalt  }
0x61: {  	_ =	shalt  }
0x62: {  	_ =	shalt  }
0x63: {  	_ =	shalt  }
0x64: {  	_ =	shalt  }
0x65: {  	_ =	shalt  }
0x66: {  	_ =	shalt  }
0x67: {  	_ =	shalt  }
0x68: {  	_ =	shalt  }
0x69: {  	_ =	shalt  }
0x6a: {  	_ =	shalt  }
0x6b: {  	_ =	shalt  }
0x6c: {  	_ =	shalt  }
0x6d: {  	_ =	shalt  }
0x6e: {  	_ =	shalt  }
0x6f: {  	_ =	shalt  }
0x70: {  	_ =	shalt  }
0x71: {  	_ =	shalt  }
0x72: {  	_ =	shalt  }
0x73: {  	_ =	shalt  }
0x74: {  	_ =	shalt  }
0x75: {  	_ =	shalt  }
0x76: {  	_ =	shalt  }
0x77: {  	_ =	shalt  }
0x78: {  	_ =	shalt  }
0x79: {  	_ =	shalt  }
0x7a: {  	_ =	shalt  }
0x7b: {  	_ =	shalt  }
0x7c: {  	_ =	shalt  }
0x7d: {  	_ =	shalt  }
0x7e: {  	_ =	shalt  }
0x7f: {  	_ =	shalt  }
0x80: {  	_ =	shalt  }
0x81: {  	_ =	shalt  }
0x82: {  	_ =	shalt  }
0x83: {  	_ =	shalt  }
0x84: {  	_ =	shalt  }
0x85: {  	_ =	shalt  }
0x86: {  	_ =	shalt  }
0x87: {  	_ =	shalt  }
.Lfunc_end0:
.L_simem_size_0:
called_computation_lowered:
.L_overlay_start_0:
0x88: {  	s2 =	sld [smem:$0x3FD9]  }
0x89: {  	s3 =	sld [smem:$0x3FFE];
	_ =	sdelay $0x1  }
0x8a: {  	s1 =	srdreg.scid  }
0x8b: {  	s0 =	sand.u32 $0x1, s1  }
0x8c: {  	s18 =	sshll.u32 s0, $0xA;
	s2 =	sadd.s32 s3, s2  }
0x8d: {  	s2 =	sadd.s32 s2, s18  }
0x8e: {  	[smem:$0x3FC6] =	sst s2  }
0x8f: {  	_ = 	snop  }
0x90: {  	s2 =	sld [smem:$0x3FC9]  }
0x91: {  	s19 =	sld [smem:$0x3FC8]  }
0x92: {  	s4 =	sld [smem:$0x3FD0];
	(tm) =	ssettm $0x1  }
0x93: {  	s5 =	sld [smem:$0x3FFB];
	_ =	sdelay $0x3  }
0x94: {  	_ =	strace s5  }
0x95: {  	s5 =	sld [smem:$0x3FFC];
	_ =	sdelay $0x3  }
0x96: {  	_ =	strace s5  }
0x97: {  	s5 =	sld [smem:$0x3FFD];
	_ =	sdelay $0x3  }
0x98: {  	_ =	strace s5  }
0x99: {  	_ =	strace $0x8FFFFFFF  }
0x9a: {  	s20 =	sld [smem:$0x3FDB];
	_ =	sdelay $0x1  }
0x9b: {  	s6 =	simm.s32 $_scs_section_size  }
0x9c: {  	s7 =	simm.s32 $_size__tile_overlayer_lowered;
	s8 =	simm.s32 $_tile_overlayer_lowered  }
0x9d: {  	s23 =	simm.s32 $0x1BFF;
	s22 =	sshll.u32 s8, $0x1;
	s5 =	sadd.s32 s6, s20  }
0x9e: {  	s9 =	simm.s32 $0x0;
	s21 =	sshll.u32 s7, $0x1;
	s7 =	sadd.s32 s22, s5  }
0x9f: {  	[timem:s9], [sflag:s23] =	dma.local [hbm:s7], s21  }
0xa0: {  	_ =	swait.ge [sflag:s23], s21  }
0xa1: {  	s6 =	ssub.s32 $0x0, s21;
	[sflag:s23] =	ssyncset.done $0x0  }
0xa2: {  	[sflag:s23] =	ssyncadd.s32 s6;
	_ =	sdelay $0x1  }
0xa3: {  	s24 =	simm.s32 $0x1B8B  }
0xa4: {  	_ =	swait.ge [sflag:s24], $0x1  }
0xa5: {  	[sflag:s24] =	ssyncset.done $0x0  }
0xa6: {  	s25 =	simm.s32 $0x1B8E;
	[sflag:s24] =	ssyncadd.s32 $0xFFFFFFFF  }
0xa7: {  	s26 =	simm.s32 $execute0_lowered;
	[smem:$0x3FD2] =	sst s25  }
0xa8: {  	s6 =	sshll.u32 s26, $0x1;
	_ =	strace $0x80000046;
	[dreg:$0x1] =	wrdreg $0xFFFFFFFF  }
0xa9: {  	s28 =	simm.s32 $_size_execute0_lowered;
	s5 =	sadd.s32 s5, s6;
	[dreg:$0x0] =	wrdreg $0x0  }
0xaa: {  	s6 =	sshll.u32 s28, $0x1;
	[dreg:$0x2] =	wrdreg s5  }
0xab: {  	[dreg:$0x3] =	wrdreg s6  }
0xac: {  	[dreg:$0x4] =	wrdreg $0xC0  }
0xad: {  	_ =	task [dreg:s9], $0x5FFFF  }
0xae: {  	[dreg:$0x1] =	wrdreg $0xFFFFFFFF  }
0xaf: {  	[dreg:$0x0] =	wrdreg $0x60  }
0xb0: {  	[dreg:$0x2] =	wrdreg s2  }
0xb1: {  	[dreg:$0x3] =	wrdreg s19  }
0xb2: {  	[dreg:$0x4] =	wrdreg s4  }
0xb3: {  	[dreg:$0x5] =	wrdreg $0x9  }
0xb4: {  	_ =	task.clear_ibuf [dreg:s9], $0x6FFFF;
	_ =	strace $0x90000046  }
0xb5: {  	s29 =	simm.s32 $0x9;
	_ =	strace $0x80000048  }
0xb6: {  	_ =	swait.ge [sflag:s29], $0x1  }
0xb7: {  	[sflag:s29] =	ssyncadd.s32 $0xFFFFFFFF  }
0xb8: {  	_ =	strace $0x90000048  }
0xb9: {  	_ =	sfence  }
0xba: {  	s30 =	sld [smem:$0x0];
	_ =	sdelay $0x2  }
0xbb: {  	s31 =	sshll.u32 s1, $0xD;
	s1 =	sshrl.u32 s1, $0x2  }
0xbc: {  	s3 =	sand.u32 $0x4000, s31;
	s1 =	sadd.s32 s1, s30  }
0xbd: {  	s0 =	sor.u32 s3, s0;
	s1 =	sshll.u32 s1, $0x11  }
0xbe: {  	s0 =	sor.u32 s1, s0  }
0xbf: {  	s0 =	sadd.s32 $0x8F2B, s0  }
0xc0: {  	[sflag:s0] =	ssyncadd.remote.s32 $0x1  }
0xc1: {  	_ =	sfence.sel $0xFFFF  }
0xc2: {  	[dreg:$0x0] =	wrdreg $0xFFFFFFFF;
	(pc) =	sbr.abs _section_cstart, $3  }
0xc3: {  	[dreg:$0x1] =	wrdreg $0xFFFFFFFF  }
0xc4: {  	_ =	task.clear_ibuf [dreg:s9], $0x2FFFF;
	_ =	strace $0x9FFFFFFF  }
0xc5: {  	(tm) =	ssettm $0x7FFFFFFF  }
tec
execute0_lowered:
.L_overlay_start_1:
0x0: {  	(tag) =	ssettag $0x1  }
0x1: {  	s4 =	rddreg [dreg:$0x0]  }
0x2: {  	s2 =	rddreg [dreg:$0x1]  }
0x3: {  	s8 =	rddreg [dreg:$0x2]  }
0x4: {  	s3 =	srdreg.scid;
	s1 =	stileid.u32  }
0x5: {  	s0 =	rddreg [dreg:$0x3];
	s11 =	simm.s32 $0x4000;
	s12 =	simm.s32 $0x8000  }
0x6: {  	s13 =	simm.s32 $0xC000;
	s14 =	simm.s32 $0x1;
	s15 =	simm.s32 $0x2  }
0x7: {  	s16 =	simm.s32 $0x3;
	s17 =	simm.s32 $0x4;
	s18 =	simm.s32 $0x5  }
0x8: {  	s19 =	simm.s32 $0x14000;
	s20 =	simm.s32 $0x6;
	s21 =	simm.s32 $0x0  }
0x9: {  	s5 =	sand.u32 $0x1, s3;
	s6 =	sshll.u32 s1, $0x1;
	s3 =	simm.s32 $0x0  }
0xa: {  	s7 =	ssub.s32 $0x2, s5;
	s9 =	sor.u32 s5, s6;
	[smem:$0x7FF] =	sst s3  }
0xb: {  	s31 =	sshrl.u32 s7, $0x1;
	s6 =	sshll.u32 s9, $0xD;
	_ =	strace $0x80000047  }
0xc: {  	s9 =	sshll.u32 s9, $0xC;
	s10 =	ssub.s32 s7, s31;
	s4 =	sadd.s32 s4, s6  }
0xd: {  	s8 =	sadd.s32 s8, s9;
	s5 =	sadd.s32 $0x800, s4;
	s6 =	sadd.s32 $0x1000, s4  }
0xe: {  	s7 =	sadd.s32 $0x1800, s4;
	s9 =	smax.u32 s10, $0x1;
	s10 =	simm.s32 $0x10000  }
.LBB2_1:
0xf: {  	[tilespmem:s10], [sflag:$0x1] =	stream.linear.gather [hbm4b:s2+s3], $0x4000, $0x38;
	[tilespmem:$0x1C000] =	vst v63  }
0x10: {  	_ = 	snop  }
0x11: {  	[tilespmem:s3], [sflag:$0x2] =	stream.linear.gather [hbm4b:s4+s3], $0x4000, $0x38;
	[tilespmem:$0x1C000] =	vst v63  }
0x12: {  	_ = 	snop  }
0x13: {  	[tilespmem:s11], [sflag:$0x3] =	stream.linear.gather [hbm4b:s5+s3], $0x4000, $0x38;
	[tilespmem:$0x1C000] =	vst v63  }
0x14: {  	_ = 	snop  }
0x15: {  	[tilespmem:s12], [sflag:$0x4] =	stream.linear.gather [hbm4b:s6+s3], $0x4000, $0x38;
	[tilespmem:$0x1C000] =	vst v63  }
0x16: {  	_ = 	snop  }
0x17: {  	[tilespmem:s13], [sflag:$0x5] =	stream.linear.gather [hbm4b:s7+s3], $0x4000, $0x38;
	[tilespmem:$0x1C000] =	vst v63  }
0x18: {  	_ =	swait.ge [sflag:s14], $0x4000  }
0x19: {  	[sflag:s14] =	ssyncset.done $0x0  }
0x1a: {  	[sflag:s14] =	ssyncadd.s32 $0xFFFFC000  }
0x1b: {  	_ =	swait.ge [sflag:s15], $0x4000  }
0x1c: {  	[sflag:s15] =	ssyncset.done $0x0  }
0x1d: {  	[sflag:s15] =	ssyncadd.s32 $0xFFFFC000  }
0x1e: {  	_ =	swait.ge [sflag:s16], $0x4000  }
0x1f: {  	[sflag:s16] =	ssyncset.done $0x0  }
0x20: {  	[sflag:s16] =	ssyncadd.s32 $0xFFFFC000  }
0x21: {  	_ =	swait.ge [sflag:s17], $0x4000  }
0x22: {  	[sflag:s17] =	ssyncset.done $0x0  }
0x23: {  	[sflag:s17] =	ssyncadd.s32 $0xFFFFC000  }
0x24: {  	_ =	swait.ge [sflag:s18], $0x4000  }
0x25: {  	s22 =	sand.u32 $0x3FFFFF80, s3;
	[sflag:s18] =	ssyncset.done $0x0  }
0x26: {  	s22 =	sadd.s32 $0x0, s22;
	[sflag:s18] =	ssyncadd.s32 $0xFFFFC000  }
0x27: {  	v0 =	vld [tilespmem:s22+$0x30]  }
0x28: {  	v5 =	vld [tilespmem:s22+$0x80]  }
0x29: {  	v6 =	vld [tilespmem:s22+$0x90]  }
0x2a: {  	v1 =	vld [tilespmem:s22+$0xB0]  }
0x2b: {  	v2 =	vld [tilespmem:s22+$0x0]  }
0x2c: {  	v3 =	vld [tilespmem:s22+$0x10];
	_ =	sdelay $0x1  }
0x2d: {  	v0 =	vmax.f32 v0, $1.000000010e-10;
	v5 =	vmax.f32 v5, $1.000000010e-10;
	v6 =	vmax.f32 v6, $1.000000010e-10  }
0x2e: {  	v7 =	vmul.f32 $1.270000000e+02, v0;
	v0 =	vmax.f32 v1, $1.000000010e-10;
	v5 =	vmul.f32 $1.270000000e+02, v5  }
0x2f: {  	v4 =	vld [tilespmem:s22+$0x20];
	v1 =	vmax.f32 v2, $1.000000010e-10;
	v6 =	vmul.f32 $1.270000000e+02, v6;
	v0 =	vmul.f32 $1.270000000e+02, v0  }
0x30: {  	v8 =	vmul.f32 $1.270000000e+02, v1;
	v1 =	vmax.f32 v3, $1.000000010e-10;
	v3 =	vtrunc.f32 v7  }
0x31: {  	v10 =	vmul.f32 $1.270000000e+02, v1;
	v17 =	vtrunc.f32 v5  }
0x32: {  	v2 =	vld [tilespmem:s22+$0xA0];
	v18 =	vtrunc.f32 v6;
	v3 =	vcvt.f32.s32 v3  }
0x33: {  	v9 =	vtrunc.f32 v0;
	v14 =	vtrunc.f32 v8  }
0x34: {  	v4 =	vmax.f32 v4, $1.000000010e-10;
	v17 =	vcvt.f32.s32 v17;
	v18 =	vcvt.f32.s32 v18  }
0x35: {  	v1 =	vcvt.f32.s32 v9;
	v9 =	vmul.f32 $1.270000000e+02, v4  }
0x36: {  	v16 =	vtrunc.f32 v10;
	v14 =	vcvt.f32.s32 v14  }
0x37: {  	v3 =	vmin.u32 v3, $0x7E;
	v2 =	vmax.f32 v2, $1.000000010e-10;
	v16 =	vcvt.f32.s32 v16  }
0x38: {  	v17 =	vmin.u32 v17, $0x7E;
	v18 =	vmin.u32 v18, $0x7E;
	v1 =	vmin.u32 v1, $0x7E  }
0x39: {  	v4 =	vshll.u32 v3, $0x7;
	v11 =	vmul.f32 $1.270000000e+02, v2;
	v14 =	vmin.u32 v14, $0x7E  }
0x3a: {  	v25 =	vand.u32 $0x7, v17;
	v26 =	vand.u32 $0x7, v18;
	v4 =	vor.u32 v1, v4  }
0x3b: {  	v13 =	vand.u32 $0x7, v1;
	v16 =	vmin.u32 v16, $0x7E;
	v2 =	vadd.s32 $0x80, v4  }
0x3c: {  	v20 =	vshll.u32 v14, $0x7;
	v15 =	vadd.s32 $0x81, v4;
	v2 =	vand.u32 $0x7FF8, v2  }
0x3d: {  	v1 =	vcvt.s32.f32 v1;
	v12 =	vadd.s32 $0x1, v4;
	v2 =	vor.u32 v13, v2  }
0x3e: {  	v19 =	vtrunc.f32 v11;
	v21 =	vshll.u32 v16, $0x7;
	v20 =	vor.u32 v17, v20  }
0x3f: {  	v17 =	vcvt.s32.f32 v17;
	v16 =	vcvt.s32.f32 v16;
	v21 =	vor.u32 v18, v21  }
0x40: {  	v19 =	vcvt.f32.s32 v19;
	v1 =	vsub.f32 v0, v1;
	v13 =	vtrunc.f32 v9;
	v4 =	vld.idx.msk [tilespmem:v4+s10+$0x0], $0xffff  }
0x41: {  	v18 =	vcvt.s32.f32 v18;
	v24 =	vadd.s32 $0x80, v21;
	v13 =	vcvt.f32.s32 v13;
	v15 =	vld.idx.msk [tilespmem:v15+s10+$0x0], $0xffff  }
0x42: {  	s30 =	simm.s32 $0x40;
	v27 =	vadd.s32 $0x1, v21;
	v17 =	vsub.f32 v5, v17;
	v19 =	vmin.u32 v19, $0x7E;
	v23 =	vld.idx.msk [tilespmem:v2+s10+$0x0], $0xffff  }
0x43: {  	s22 =	sand.u32 $0x3FFFFF80, s30;
	v24 =	vand.u32 $0x7FF8, v24;
	v5 =	vcvt.s32.f32 v19;
	v13 =	vmin.u32 v13, $0x7E;
	v12 =	vld.idx.msk [tilespmem:v12+s10+$0x0], $0xffff  }
0x44: {  	s22 =	sadd.s32 $0x40, s22;
	v22 =	vshll.u32 v13, $0x7;
	v0 =	vld.idx.msk [tilespmem:v21+s10+$0x0], $0xffff;
	v21 =	vadd.s32 $0x81, v21;
	v2 =	vadd.s32 $0x80, v20  }
0x45: {  	v6 =	vsub.f32 v6, v18;
	v18 =	vld [tilespmem:s22+$0x30];
	v22 =	vor.u32 v19, v22;
	v2 =	vand.u32 $0x7FF8, v2  }
0x46: {  	v11 =	vsub.f32 v11, v5;
	v5 =	vsub.f32 v10, v16;
	v10 =	vld [tilespmem:s22+$0x10];
	v25 =	vor.u32 v25, v2  }
0x47: {  	v24 =	vor.u32 v26, v24;
	v27 =	vld.idx.msk [tilespmem:v27+s10+$0x0], $0xffff;
	v15 =	vsub.f32 v15, v23  }
0x48: {  	v26 =	vadd.s32 $0x1, v20;
	v2 =	vld.idx.msk [tilespmem:v20+s10+$0x0], $0xffff;
	v12 =	vsub.f32 v12, v4  }
0x49: {  	v20 =	vadd.s32 $0x81, v20;
	v21 =	vld.idx.msk [tilespmem:v21+s10+$0x0], $0xffff;
	v15 =	vmul.f32 v1, v15  }
0x4a: {  	v3 =	vcvt.s32.f32 v3;
	v12 =	vmul.f32 v1, v12;
	v1 =	vld.idx.msk [tilespmem:v22+s10+$0x0], $0xffff  }
0x4b: {  	v10 =	vmax.f32 v10, $1.000000010e-10;
	v25 =	vld.idx.msk [tilespmem:v25+s10+$0x0], $0xffff;
	v15 =	vadd.f32 v15, v23;
	v23 =	vadd.s32 $0x1, v22  }
0x4c: {  	v16 =	vsub.f32 v27, v0;
	v27 =	vmul.f32 $1.270000000e+02, v10;
	v12 =	vadd.f32 v12, v4;
	v4 =	vld.idx.msk [tilespmem:v24+s10+$0x0], $0xffff  }
0x4d: {  	v3 =	vsub.f32 v7, v3;
	v13 =	vcvt.s32.f32 v13;
	v24 =	vld.idx.msk [tilespmem:v26+s10+$0x0], $0xffff  }
0x4e: {  	v26 =	vadd.s32 $0x80, v22;
	v33 =	vtrunc.f32 v27;
	v7 =	vsub.f32 v15, v12;
	v15 =	vld.idx.msk [tilespmem:v20+s10+$0x0], $0xffff  }
0x4f: {  	v20 =	vand.u32 $0x7FF8, v26;
	v26 =	vand.u32 $0x7, v19;
	v19 =	vadd.s32 $0x81, v22;
	v22 =	vld [tilespmem:s22+$0x0]  }
0x50: {  	v18 =	vmax.f32 v18, $1.000000010e-10;
	v3 =	vmul.f32 v7, v3;
	v7 =	vcvt.s32.f32 v14;
	v14 =	vld.idx.msk [tilespmem:v23+s10+$0x0], $0xffff  }
0x51: {  	v18 =	vmul.f32 $1.270000000e+02, v18;
	v33 =	vcvt.f32.s32 v33;
	v23 =	vld [tilespmem:s22+$0x20]  }
0x52: {  	v20 =	vor.u32 v26, v20;
	v12 =	vadd.f32 v3, v12;
	v3 =	vsub.f32 v8, v7;
	v8 =	vld [tilespmem:s22+$0xB0]  }
0x53: {  	v16 =	vmul.f32 v6, v16;
	v33 =	vmin.u32 v33, $0x7E;
	v15 =	vsub.f32 v15, v25  }
0x54: {  	v22 =	vmax.f32 v22, $1.000000010e-10;
	v7 =	vmax.f32 v12, $0.0e+00;
	v12 =	vsub.f32 v24, v2  }
0x55: {  	v37 =	vshll.u32 v33, $0x7;
	v19 =	vld.idx.msk [tilespmem:v19+s10+$0x0], $0xffff;
	v22 =	vmul.f32 $1.270000000e+02, v22;
	v15 =	vmul.f32 v17, v15  }
0x56: {  	v24 =	vld [tilespmem:s22+$0x90];
	v12 =	vmul.f32 v17, v12;
	v17 =	vsub.f32 v21, v4;
	v14 =	vsub.f32 v14, v1  }
0x57: {  	v20 =	vld.idx.msk [tilespmem:v20+s10+$0x0], $0xffff;
	v23 =	vmax.f32 v23, $1.000000010e-10;
	v32 =	vtrunc.f32 v22;
	v8 =	vmax.f32 v8, $1.000000010e-10  }
0x58: {  	v21 =	vld [tilespmem:s22+$0x80];
	v23 =	vmul.f32 $1.270000000e+02, v23;
	v25 =	vadd.f32 v15, v25;
	v17 =	vmul.f32 v6, v17  }
0x59: {  	v8 =	vmul.f32 $1.270000000e+02, v8;
	v6 =	vsub.f32 v9, v13;
	v13 =	vtrunc.f32 v18  }
0x5a: {  	v26 =	vmul.f32 v11, v14;
	v12 =	vadd.f32 v12, v2;
	v13 =	vcvt.f32.s32 v13  }
0x5b: {  	v10 =	vmax.f32 v24, $1.000000010e-10;
	v51 =	vtrunc.f32 v23;
	v14 =	vtrunc.f32 v8  }
0x5c: {  	v19 =	vsub.f32 v19, v20;
	v28 =	vmul.f32 $1.270000000e+02, v10;
	v14 =	vcvt.f32.s32 v14  }
0x5d: {  	v9 =	vld [tilespmem:s22+$0xA0];
	v4 =	vadd.f32 v17, v4;
	v21 =	vmax.f32 v21, $1.000000010e-10;
	v13 =	vmin.u32 v13, $0x7E  }
0x5e: {  	v11 =	vmul.f32 v11, v19;
	v24 =	vshll.u32 v13, $0x7;
	v14 =	vmin.u32 v14, $0x7E  }
0x5f: {  	v21 =	vmul.f32 $1.270000000e+02, v21;
	v34 =	vtrunc.f32 v28;
	v24 =	vor.u32 v14, v24  }
0x60: {  	v13 =	vcvt.s32.f32 v13;
	v10 =	vadd.s32 $0x80, v24;
	v29 =	vadd.s32 $0x1, v24  }
0x61: {  	v30 =	vand.u32 $0x7, v14;
	v31 =	vadd.s32 $0x81, v24;
	v10 =	vand.u32 $0x7FF8, v10  }
0x62: {  	v9 =	vmax.f32 v9, $1.000000010e-10;
	v34 =	vcvt.f32.s32 v34;
	v10 =	vor.u32 v30, v10  }
0x63: {  	v11 =	vadd.f32 v11, v20;
	v20 =	vadd.f32 v16, v0;
	v9 =	vmul.f32 $1.270000000e+02, v9  }
0x64: {  	v15 =	vtrunc.f32 v21;
	v14 =	vcvt.s32.f32 v14;
	v34 =	vmin.u32 v34, $0x7E;
	v24 =	vld.idx.msk [tilespmem:v24+s10+$0x0], $0xffff  }
0x65: {  	v15 =	vcvt.f32.s32 v15;
	v35 =	vtrunc.f32 v9;
	v52 =	vor.u32 v34, v37;
	v29 =	vld.idx.msk [tilespmem:v29+s10+$0x0], $0xffff  }
0x66: {  	v42 =	vand.u32 $0x7, v34;
	v34 =	vcvt.s32.f32 v34;
	v30 =	vcvt.f32.s32 v32;
	v31 =	vld.idx.msk [tilespmem:v31+s10+$0x0], $0xffff  }
0x67: {  	v8 =	vsub.f32 v8, v14;
	v32 =	vcvt.f32.s32 v51;
	v35 =	vcvt.f32.s32 v35;
	v10 =	vld.idx.msk [tilespmem:v10+s10+$0x0], $0xffff  }
0x68: {  	v39 =	vmin.u32 v15, $0x7E;
	v40 =	vadd.s32 $0x80, v52;
	v57 =	vadd.s32 $0x1, v52  }
0x69: {  	v40 =	vand.u32 $0x7FF8, v40;
	v30 =	vmin.u32 v30, $0x7E;
	v32 =	vmin.u32 v32, $0x7E  }
0x6a: {  	v35 =	vmin.u32 v35, $0x7E;
	v36 =	vshll.u32 v30, $0x7;
	v38 =	vshll.u32 v32, $0x7  }
0x6b: {  	v41 =	vand.u32 $0x7, v39;
	v15 =	vor.u32 v39, v36;
	v38 =	vor.u32 v35, v38  }
0x6c: {  	v56 =	vadd.s32 $0x81, v15;
	v29 =	vsub.f32 v29, v24;
	v31 =	vsub.f32 v31, v10  }
0x6d: {  	v19 =	vsub.f32 v28, v34;
	v14 =	vadd.s32 $0x80, v38;
	v59 =	vadd.s32 $0x1, v38  }
0x6e: {  	v43 =	vand.u32 $0x7FF8, v14;
	v14 =	vmul.f32 v8, v29;
	v8 =	vmul.f32 v8, v31  }
0x6f: {  	v17 =	vcvt.s32.f32 v35;
	v28 =	vcvt.s32.f32 v30;
	v53 =	vadd.s32 $0x80, v15  }
0x70: {  	v60 =	vld.idx.msk [tilespmem:v57+s10+$0x0], $0xffff;
	v37 =	vand.u32 $0x7FF8, v53;
	v24 =	vadd.f32 v14, v24;
	v8 =	vadd.f32 v8, v10  }
0x71: {  	v17 =	vsub.f32 v9, v17;
	v2 =	vsub.f32 v22, v28;
	v9 =	vld.idx.msk [tilespmem:v56+s10+$0x0], $0xffff;
	v31 =	vor.u32 v41, v37  }
0x72: {  	v55 =	vadd.s32 $0x1, v15;
	v22 =	vld.idx.msk [tilespmem:v59+s10+$0x0], $0xffff;
	v10 =	vsub.f32 v18, v13;
	v8 =	vsub.f32 v8, v24  }
0x73: {  	v4 =	vsub.f32 v4, v20;
	v54 =	vor.u32 v42, v40;
	v14 =	vld.idx.msk [tilespmem:v15+s10+$0x0], $0xffff  }
0x74: {  	v15 =	vld.idx.msk [tilespmem:v52+s10+$0x0], $0xffff;
	v18 =	vadd.s32 $0x81, v52;
	v8 =	vmul.f32 v8, v10  }
0x75: {  	v5 =	vmul.f32 v4, v5;
	v58 =	vcvt.s32.f32 v39;
	v13 =	vld.idx.msk [tilespmem:v38+s10+$0x0], $0xffff  }
0x76: {  	v31 =	vld.idx.msk [tilespmem:v31+s10+$0x0], $0xffff;
	v8 =	vadd.f32 v8, v24  }
0x77: {  	s31 =	simm.s32 $0x80;
	v5 =	vadd.f32 v5, v20;
	v21 =	vsub.f32 v21, v58;
	v24 =	vld.idx.msk [tilespmem:v55+s10+$0x0], $0xffff  }
0x78: {  	s22 =	sand.u32 $0x3FFFFF80, s31;
	v30 =	vcvt.s32.f32 v33;
	v10 =	vld.idx.msk [tilespmem:v54+s10+$0x0], $0xffff;
	v16 =	vmax.f32 v8, $0.0e+00;
	v8 =	vadd.f32 v26, v1  }
0x79: {  	s22 =	sadd.s32 $0x80, s22;
	v29 =	vand.u32 $0x7, v35;
	v26 =	vld.idx.msk [tilespmem:v18+s10+$0x0], $0xffff;
	v1 =	vsub.f32 v25, v12;
	v18 =	vcvt.s32.f32 v32  }
0x7a: {  	v0 =	vsub.f32 v27, v30;
	v29 =	vor.u32 v29, v43;
	v25 =	vld [tilespmem:s22+$0x30];
	v11 =	vsub.f32 v11, v8  }
0x7b: {  	v22 =	vsub.f32 v22, v13;
	v3 =	vmul.f32 v1, v3;
	v1 =	vsub.f32 v23, v18;
	v23 =	vld [tilespmem:s22+$0xB0]  }
0x7c: {  	v9 =	vsub.f32 v9, v31;
	v18 =	vsub.f32 v24, v14;
	v6 =	vmul.f32 v11, v6;
	v11 =	vld [tilespmem:s22+$0x0]  }
0x7d: {  	v38 =	vadd.s32 $0x81, v38;
	v24 =	vsub.f32 v60, v15;
	v4 =	vadd.f32 v3, v12;
	v12 =	vld [tilespmem:s22+$0x10]  }
0x7e: {  	v20 =	vld [tilespmem:s22+$0x20];
	v18 =	vmul.f32 v21, v18;
	v21 =	vmul.f32 v21, v9;
	v9 =	vsub.f32 v26, v10  }
0x7f: {  	v30 =	vmul.f32 v19, v24;
	v24 =	vld [tilespmem:s22+$0x90];
	v3 =	vadd.f32 v6, v8;
	v8 =	vmax.f32 v25, $1.000000010e-10  }
0x80: {  	v34 =	vmul.f32 v17, v22;
	v6 =	vld [tilespmem:s22+$0x80];
	v25 =	vmul.f32 $1.270000000e+02, v8;
	v8 =	vmax.f32 v23, $1.000000010e-10  }
0x81: {  	v23 =	vmul.f32 v19, v9;
	v19 =	vmul.f32 $1.270000000e+02, v8;
	v9 =	vmax.f32 v11, $1.000000010e-10  }
0x82: {  	v8 =	vmax.f32 v12, $1.000000010e-10;
	v35 =	vmul.f32 $1.270000000e+02, v9;
	v9 =	vtrunc.f32 v25  }
0x83: {  	v11 =	vld [tilespmem:s22+$0xA0];
	v12 =	vmax.f32 v20, $1.000000010e-10;
	v22 =	vtrunc.f32 v19;
	v20 =	vcvt.f32.s32 v9  }
0x84: {  	v24 =	vmax.f32 v24, $1.000000010e-10;
	v9 =	vmul.f32 $1.270000000e+02, v8;
	v22 =	vcvt.f32.s32 v22  }
0x85: {  	v6 =	vmax.f32 v6, $1.000000010e-10;
	v8 =	vmul.f32 $1.270000000e+02, v12;
	v32 =	vmul.f32 $1.270000000e+02, v24  }
0x86: {  	v33 =	vld.idx.msk [tilespmem:v29+s10+$0x0], $0xffff;
	v28 =	vmul.f32 $1.270000000e+02, v6;
	v29 =	vtrunc.f32 v35  }
0x87: {  	v12 =	vmin.u32 v20, $0x7E;
	v22 =	vmin.u32 v22, $0x7E;
	v61 =	vtrunc.f32 v9  }
0x88: {  	v20 =	vld.idx.msk [tilespmem:v38+s10+$0x0], $0xffff;
	v29 =	vcvt.f32.s32 v29;
	v11 =	vmax.f32 v11, $1.000000010e-10;
	v26 =	vshll.u32 v12, $0x7  }
0x89: {  	v6 =	vor.u32 v22, v26;
	v36 =	vmul.f32 $1.270000000e+02, v11;
	v26 =	vand.u32 $0x7, v22  }
0x8a: {  	v22 =	vcvt.s32.f32 v22;
	v11 =	vadd.s32 $0x80, v6;
	v24 =	vadd.s32 $0x1, v6  }
0x8b: {  	v12 =	vcvt.s32.f32 v12;
	v27 =	vadd.s32 $0x81, v6;
	v11 =	vand.u32 $0x7FF8, v11  }
0x8c: {  	v19 =	vsub.f32 v19, v22;
	v26 =	vor.u32 v26, v11;
	v11 =	vtrunc.f32 v8  }
0x8d: {  	v38 =	vsub.f32 v20, v33;
	v20 =	vcvt.f32.s32 v61;
	v62 =	vcvt.f32.s32 v11  }
0x8e: {  	v11 =	vadd.f32 v21, v31;
	v21 =	vmin.u32 v29, $0x7E;
	v29 =	vtrunc.f32 v28;
	v6 =	vld.idx.msk [tilespmem:v6+s10+$0x0], $0xffff  }
0x8f: {  	v31 =	vtrunc.f32 v32;
	v29 =	vcvt.f32.s32 v29;
	v63 =	vmin.u32 v20, $0x7E;
	v24 =	vld.idx.msk [tilespmem:v24+s10+$0x0], $0xffff  }
0x90: {  	v20 =	vtrunc.f32 v36;
	v31 =	vcvt.f32.s32 v31;
	v50 =	vshll.u32 v21, $0x7;
	v27 =	vld.idx.msk [tilespmem:v27+s10+$0x0], $0xffff  }
0x91: {  	v17 =	vmul.f32 v17, v38;
	v37 =	vmin.u32 v62, $0x7E;
	v20 =	vcvt.f32.s32 v20;
	v26 =	vld.idx.msk [tilespmem:v26+s10+$0x0], $0xffff  }
0x92: {  	v51 =	vshll.u32 v63, $0x7;
	v52 =	vshll.u32 v37, $0x7;
	v29 =	vmin.u32 v29, $0x7E  }
0x93: {  	v31 =	vmin.u32 v31, $0x7E;
	v33 =	vadd.f32 v17, v33;
	v17 =	vadd.f32 v30, v15  }
0x94: {  	v53 =	vmin.u32 v20, $0x7E;
	v20 =	vor.u32 v29, v50;
	v54 =	vor.u32 v31, v51  }
0x95: {  	v56 =	vand.u32 $0x7, v29;
	v46 =	vand.u32 $0x7, v31;
	v59 =	vcvt.s32.f32 v29  }
0x96: {  	v31 =	vcvt.s32.f32 v31;
	v24 =	vsub.f32 v24, v6;
	v27 =	vsub.f32 v27, v26  }
0x97: {  	v55 =	vadd.s32 $0x80, v20;
	v44 =	vadd.s32 $0x80, v54;
	v48 =	vadd.s32 $0x81, v20  }
0x98: {  	v49 =	vadd.s32 $0x1, v54;
	v24 =	vmul.f32 v19, v24;
	v19 =	vmul.f32 v19, v27  }
0x99: {  	v29 =	vadd.f32 v23, v10;
	v41 =	vand.u32 $0x7FF8, v55;
	v22 =	vand.u32 $0x7FF8, v44  }
0x9a: {  	v41 =	vor.u32 v56, v41;
	v58 =	vadd.f32 v24, v6;
	v19 =	vadd.f32 v19, v26  }
0x9b: {  	v42 =	vor.u32 v53, v52;
	v23 =	vsub.f32 v32, v31;
	v57 =	vor.u32 v46, v22;
	v22 =	vld.idx.msk [tilespmem:v54+s10+$0x0], $0xffff  }
0x9c: {  	v45 =	vadd.s32 $0x80, v42;
	v31 =	vld.idx.msk [tilespmem:v48+s10+$0x0], $0xffff;
	v24 =	vsub.f32 v25, v12;
	v25 =	vsub.f32 v19, v58  }
0x9d: {  	v47 =	vadd.s32 $0x1, v20;
	v45 =	vand.u32 $0x7FF8, v45;
	v30 =	vld.idx.msk [tilespmem:v49+s10+$0x0], $0xffff;
	v27 =	vand.u32 $0x7, v53  }
0x9e: {  	v6 =	vld.idx.msk [tilespmem:v20+s10+$0x0], $0xffff;
	v45 =	vor.u32 v27, v45;
	v60 =	vmul.f32 v25, v24  }
0x9f: {  	s23 =	simm.s32 $0x40;
	v21 =	vcvt.s32.f32 v21;
	v27 =	vadd.s32 $0x81, v54;
	v12 =	vld.idx.msk [tilespmem:v41+s10+$0x0], $0xffff  }
0xa0: {  	[tilespmem:s23+$0x14030] =	vst v16;
	v16 =	vadd.f32 v18, v14;
	v10 =	vld.idx.msk [tilespmem:v57+s10+$0x0], $0xffff;
	v26 =	vadd.s32 $0x1, v42;
	v62 =	vadd.f32 v60, v58  }
0xa1: {  	s24 =	simm.s32 $0x0;
	v18 =	vadd.f32 v34, v13;
	v21 =	vsub.f32 v35, v21;
	v61 =	vcvt.s32.f32 v53;
	v19 =	vld.idx.msk [tilespmem:v42+s10+$0x0], $0xffff  }
0xa2: {  	[tilespmem:s24+$0x14030] =	vst v7;
	s22 =	simm.s32 $0x80;
	v32 =	vcvt.s32.f32 v63;
	v24 =	vsub.f32 v28, v59;
	v28 =	vld.idx.msk [tilespmem:v47+s10+$0x0], $0xffff;
	v63 =	vmax.f32 v62, $0.0e+00  }
0xa3: {  	s25 =	simm.s32 $0x80;
	s26 =	simm.s32 $0xC0;
	s28 =	simm.s32 $0x300;
	v15 =	vcvt.s32.f32 v37;
	v7 =	vsub.f32 v36, v61;
	v20 =	vadd.s32 $0x81, v42;
	v25 =	vld.idx.msk [tilespmem:v45+s10+$0x0], $0xffff;
	[tilespmem:s22+$0x14030] =	vst v63  }
.LBB2_2:
0xa4: {  	s29 =	sand.u32 $0x3FFFFF80, s26;
	s30 =	sshra.s32 s28, $0x2;
	s25 =	sadd.s32 $0x40, s25;
	v27 =	vld.idx.msk [tilespmem:v27+s10+$0x0], $0xffff;
	v11 =	vsub.f32 v11, v16;
	v34 =	vsub.f32 v29, v17;
	v4 =	vmax.f32 v4, $0.0e+00;
	v13 =	vmovc v22  }
0xa5: {  	v9 =	vsub.f32 v9, v32;
	s29 =	sadd.s32 s30, s29;
	p0 =	slt.u32 s25, $0x7FC0;
	v22 =	vld.idx.msk [tilespmem:v26+s10+$0x0], $0xffff;
	v26 =	vsub.f32 v33, v18;
	[tilespmem:s24+$0x14000] =	vst v4;
	v4 =	vmax.f32 v5, $0.0e+00  }
0xa6: {  	v5 =	vsub.f32 v8, v15;
	v29 =	vld [tilespmem:s29+$0x30];
	v32 =	vmul.f32 v11, v2;
	v8 =	vmul.f32 v34, v0;
	[tilespmem:s24+$0x14010] =	vst v4  }
0xa7: {  	v14 =	vmovc v19;
	v33 =	vmax.f32 v3, $0.0e+00;
	v28 =	vsub.f32 v28, v6;
	v0 =	vmovc v9;
	v11 =	vld [tilespmem:s29+$0xB0];
	v26 =	vmul.f32 v26, v1  }
0xa8: {  	v15 =	vmovc v25;
	v3 =	vsub.f32 v31, v12;
	v1 =	vmov v5;
	v9 =	vld [tilespmem:s29+$0x0];
	v4 =	vadd.f32 v32, v16;
	[tilespmem:s24+$0x14020] =	vst v33;
	s24 =	smov.u32 s23;
	s23 =	smov.u32 s22;
	s22 =	smov.u32 s30  }
0xa9: {  	v2 =	vmovc v21;
	v16 =	vmul.f32 v24, v28;
	v25 =	vsub.f32 v30, v13;
	v5 =	vadd.f32 v8, v17;
	v19 =	vld [tilespmem:s29+$0x10]  }
0xaa: {  	v24 =	vmul.f32 v24, v3;
	v21 =	vsub.f32 v27, v10;
	v3 =	vadd.f32 v26, v18;
	v8 =	vld [tilespmem:s29+$0x20]  }
0xab: {  	v17 =	vmul.f32 v23, v25;
	v22 =	vsub.f32 v22, v14;
	v26 =	vld [tilespmem:s29+$0x80];
	v18 =	vmax.f32 v29, $1.000000010e-10  }
0xac: {  	v23 =	vmul.f32 v23, v21;
	v25 =	vld [tilespmem:s29+$0x90];
	v28 =	vmul.f32 $1.270000000e+02, v18;
	v11 =	vmax.f32 v11, $1.000000010e-10  }
0xad: {  	v18 =	vmul.f32 v7, v22;
	v9 =	vmax.f32 v9, $1.000000010e-10;
	v27 =	vld [tilespmem:s29+$0xA0];
	v29 =	vmul.f32 $1.270000000e+02, v11  }
0xae: {  	v21 =	vmul.f32 $1.270000000e+02, v9;
	v9 =	vmax.f32 v19, $1.000000010e-10;
	v11 =	vtrunc.f32 v28;
	v19 =	vld.idx.msk [tilespmem:v20+s10+$0x0], $0xffff  }
0xaf: {  	v8 =	vmax.f32 v8, $1.000000010e-10;
	v11 =	vcvt.f32.s32 v11;
	v20 =	vtrunc.f32 v29  }
0xb0: {  	v9 =	vmul.f32 $1.270000000e+02, v9;
	v22 =	vmax.f32 v26, $1.000000010e-10;
	v20 =	vcvt.f32.s32 v20  }
0xb1: {  	v8 =	vmul.f32 $1.270000000e+02, v8;
	v25 =	vmax.f32 v25, $1.000000010e-10;
	v26 =	vmin.u32 v11, $0x7E  }
0xb2: {  	v11 =	vmax.f32 v27, $1.000000010e-10;
	v20 =	vmin.u32 v20, $0x7E;
	v27 =	vshll.u32 v26, $0x7  }
0xb3: {  	v30 =	vmul.f32 $1.270000000e+02, v22;
	v25 =	vmul.f32 $1.270000000e+02, v25;
	v22 =	vor.u32 v20, v27  }
0xb4: {  	v31 =	vmul.f32 $1.270000000e+02, v11;
	v11 =	vadd.s32 $0x80, v22;
	v27 =	vadd.s32 $0x1, v22  }
0xb5: {  	v32 =	vand.u32 $0x7, v20;
	v33 =	vadd.s32 $0x81, v22;
	v11 =	vand.u32 $0x7FF8, v11  }
0xb6: {  	v34 =	vtrunc.f32 v21;
	v35 =	vtrunc.f32 v9;
	v32 =	vor.u32 v32, v11  }
0xb7: {  	v34 =	vcvt.f32.s32 v34;
	v36 =	vsub.f32 v19, v15;
	v11 =	vtrunc.f32 v8  }
0xb8: {  	v19 =	vcvt.f32.s32 v35;
	v35 =	vcvt.f32.s32 v11;
	v11 =	vadd.f32 v24, v12;
	v37 =	vld.idx.msk [tilespmem:v22+s10+$0x0], $0xffff  }
0xb9: {  	v34 =	vmin.u32 v34, $0x7E;
	v12 =	vtrunc.f32 v30;
	v22 =	vtrunc.f32 v25;
	v24 =	vld.idx.msk [tilespmem:v27+s10+$0x0], $0xffff  }
0xba: {  	v38 =	vmin.u32 v19, $0x7E;
	v19 =	vtrunc.f32 v31;
	v12 =	vcvt.f32.s32 v12;
	v27 =	vld.idx.msk [tilespmem:v33+s10+$0x0], $0xffff  }
0xbb: {  	v19 =	vcvt.f32.s32 v19;
	v22 =	vcvt.f32.s32 v22;
	v35 =	vmin.u32 v35, $0x7E;
	v32 =	vld.idx.msk [tilespmem:v32+s10+$0x0], $0xffff  }
0xbc: {  	v39 =	vshll.u32 v38, $0x7;
	v33 =	vshll.u32 v34, $0x7;
	v40 =	vshll.u32 v35, $0x7  }
0xbd: {  	v42 =	vmin.u32 v19, $0x7E;
	v12 =	vmin.u32 v12, $0x7E;
	v41 =	vmin.u32 v22, $0x7E  }
0xbe: {  	v19 =	vcvt.s32.f32 v20;
	v33 =	vor.u32 v12, v33;
	v39 =	vor.u32 v41, v39  }
0xbf: {  	v40 =	vor.u32 v42, v40;
	v20 =	vadd.s32 $0x80, v33;
	v22 =	vadd.s32 $0x80, v39  }
0xc0: {  	v19 =	vsub.f32 v29, v19;
	v43 =	vadd.s32 $0x80, v40;
	v20 =	vand.u32 $0x7FF8, v20  }
0xc1: {  	v29 =	vand.u32 $0x7FF8, v22;
	v22 =	vsub.f32 v24, v37;
	v24 =	vsub.f32 v27, v32  }
0xc2: {  	v44 =	vand.u32 $0x7, v41;
	v43 =	vand.u32 $0x7FF8, v43;
	v27 =	vand.u32 $0x7, v12  }
0xc3: {  	v46 =	vand.u32 $0x7, v42;
	v47 =	vmul.f32 v19, v22;
	v24 =	vmul.f32 v19, v24;
	v45 =	vld.idx.msk [tilespmem:v33+s10+$0x0], $0xffff  }
0xc4: {  	v43 =	vor.u32 v46, v43;
	v44 =	vor.u32 v44, v29;
	v48 =	vor.u32 v27, v20;
	v22 =	vld.idx.msk [tilespmem:v39+s10+$0x0], $0xffff  }
0xc5: {  	v20 =	vcvt.s32.f32 v26;
	v37 =	vadd.f32 v47, v37;
	v24 =	vadd.f32 v24, v32;
	v19 =	vld.idx.msk [tilespmem:v40+s10+$0x0], $0xffff  }
0xc6: {  	v46 =	vadd.s32 $0x81, v33;
	v47 =	vadd.s32 $0x1, v39;
	v32 =	vadd.s32 $0x1, v33  }
0xc7: {  	v27 =	vadd.s32 $0x81, v39;
	v28 =	vsub.f32 v28, v20;
	v24 =	vsub.f32 v24, v37  }
0xc8: {  	v26 =	vadd.s32 $0x1, v40;
	v20 =	vadd.s32 $0x81, v40;
	v33 =	vcvt.s32.f32 v12  }
0xc9: {  	v29 =	vadd.f32 v23, v10;
	v39 =	vcvt.s32.f32 v41;
	v28 =	vmul.f32 v24, v28;
	v12 =	vld.idx.msk [tilespmem:v48+s10+$0x0], $0xffff  }
.Ltmp0:
0xca: {  	v24 =	vsub.f32 v30, v33;
	v30 =	vcvt.s32.f32 v42;
	v33 =	vmul.f32 v7, v36;
	v10 =	vld.idx.msk [tilespmem:v44+s10+$0x0], $0xffff;
	(pc) =	sbr.rel @p0 .LBB2_2-.Ltmp0, $4  }
0xcb: {  	v34 =	vcvt.s32.f32 v34;
	v23 =	vsub.f32 v25, v39;
	v36 =	vadd.f32 v28, v37;
	v25 =	vld.idx.msk [tilespmem:v43+s10+$0x0], $0xffff  }
0xcc: {  	v7 =	vsub.f32 v31, v30;
	v33 =	vadd.f32 v33, v15;
	v28 =	vld.idx.msk [tilespmem:v32+s10+$0x0], $0xffff;
	v32 =	vcvt.s32.f32 v38  }
0xcd: {  	v16 =	vadd.f32 v16, v6;
	v17 =	vadd.f32 v17, v13;
	v6 =	vmovc v45;
	v36 =	vmax.f32 v36, $0.0e+00;
	v31 =	vld.idx.msk [tilespmem:v46+s10+$0x0], $0xffff  }
0xce: {  	s26 =	sadd.s32 $0x40, s26;
	s28 =	sadd.s32 $0x100, s28;
	v18 =	vadd.f32 v18, v14;
	v21 =	vsub.f32 v21, v34;
	v15 =	vcvt.s32.f32 v35;
	v30 =	vld.idx.msk [tilespmem:v47+s10+$0x0], $0xffff;
	[tilespmem:s22+$0x14030] =	vst v36  }
0xcf: {  	_ =	sdelay $0x3  }
0xd0: {  	v13 =	vld.idx.msk [tilespmem:v27+s10+$0x0], $0xffff  }
0xd1: {  	v14 =	vld.idx.msk [tilespmem:v20+s10+$0x0], $0xffff  }
0xd2: {  	v11 =	vsub.f32 v11, v16;
	v41 =	vsub.f32 v29, v17;
	v26 =	vld.idx.msk [tilespmem:v26+s10+$0x0], $0xffff  }
0xd3: {  	v4 =	vmax.f32 v4, $0.0e+00;
	v9 =	vsub.f32 v9, v32;
	v42 =	vsub.f32 v33, v18  }
0xd4: {  	v5 =	vmax.f32 v5, $0.0e+00;
	v8 =	vsub.f32 v8, v15;
	v44 =	vsub.f32 v28, v6  }
0xd5: {  	v2 =	vmul.f32 v11, v2;
	v43 =	vsub.f32 v31, v12;
	v45 =	vsub.f32 v30, v22  }
0xd6: {  	v11 =	vmul.f32 v24, v44;
	v13 =	vsub.f32 v13, v10;
	v14 =	vsub.f32 v14, v25  }
0xd7: {  	v15 =	vmul.f32 v24, v43;
	v46 =	vsub.f32 v26, v19;
	v47 =	vmul.f32 v23, v45  }
0xd8: {  	v51 =	vadd.f32 v11, v6;
	v13 =	vmul.f32 v23, v13;
	v14 =	vmul.f32 v7, v14  }
0xd9: {  	v48 =	vadd.f32 v15, v12;
	v49 =	vmul.f32 v7, v46;
	v53 =	vadd.f32 v47, v22  }
0xda: {  	v3 =	vmax.f32 v3, $0.0e+00;
	v50 =	vadd.f32 v13, v10;
	v52 =	vadd.f32 v14, v25  }
0xdb: {  	v0 =	vmul.f32 v41, v0;
	v7 =	vadd.f32 v49, v19;
	v12 =	vsub.f32 v48, v51  }
0xdc: {  	[tilespmem:s24+$0x14000] =	vst v4;
	v1 =	vmul.f32 v42, v1;
	v2 =	vadd.f32 v2, v16;
	v54 =	vsub.f32 v50, v53  }
0xdd: {  	[tilespmem:s24+$0x14010] =	vst v5;
	v0 =	vadd.f32 v0, v17;
	v55 =	vsub.f32 v52, v7;
	v56 =	vmul.f32 v12, v21  }
0xde: {  	[tilespmem:s24+$0x14020] =	vst v3;
	v1 =	vadd.f32 v1, v18;
	v2 =	vmax.f32 v2, $0.0e+00;
	v57 =	vmul.f32 v54, v9  }
0xdf: {  	v0 =	vmax.f32 v0, $0.0e+00;
	[tilespmem:s23+$0x14000] =	vst v2;
	v58 =	vmul.f32 v55, v8;
	v59 =	vadd.f32 v56, v51  }
0xe0: {  	[tilespmem:s23+$0x14010] =	vst v0;
	v60 =	vmax.f32 v1, $0.0e+00;
	v61 =	vadd.f32 v57, v53  }
0xe1: {  	[tilespmem:s23+$0x14020] =	vst v60;
	v62 =	vadd.f32 v58, v7;
	v63 =	vmax.f32 v59, $0.0e+00  }
0xe2: {  	s21 =	sadd.s32 $0x1, s21;
	[tilespmem:s22+$0x14000] =	vst v63;
	v1 =	vmax.f32 v61, $0.0e+00  }
0xe3: {  	p0 =	sne.s32 s21, s9;
	v0 =	vmax.f32 v62, $0.0e+00;
	[tilespmem:s22+$0x14010] =	vst v1  }
.Ltmp1:
0xe4: {  	[tilespmem:s22+$0x14020] =	vst v0;
	(pc) =	sbr.rel @p0 .LBB2_1-.Ltmp1, $4  }
0xe5: {  	[hbm4b:s8+s3] =	stream.linear.scatter [tilespmem:s19], [sflag:$0x6], $0x8000, $0x38;
	[tilespmem:$0x1C000] =	vst v63  }
0xe6: {  	_ =	swait.ge [sflag:s20], $0x8000  }
0xe7: {  	[sflag:s20] =	ssyncset.done $0x0  }
0xe8: {  	[sflag:s20] =	ssyncadd.s32 $0xFFFF8000  }
0xe9: {  	_ =	sfence.sel $0x180000  }
0xea: {  	[bflag:$0x0] =	sbarrier.arrive $0xFFFF  }
0xeb: {  	p0 =	sne.s32 s1, $0x0;
	_ =	strace $0x90000047  }
0xec: {  	s0 =	sadd.s32 @!p0 $0x100000, s0;
	[bflag:$0x2] =	sbarrier.arrive $0xFFFF  }
0xed: {  	[sflag:s0] =	ssyncadd.tile.s32 @!p0 $0x1;
	_ =	shalt  }
.Lfunc_end2:
_tile_overlayer_lowered:
.L_overlay_start_2:
0xee: {  	(tag) =	ssettag $0x2  }
0xef: {  	s0 =	rddreg [dreg:$0x0];
	s2 =	stileid.u32  }
0xf0: {  	s1 =	rddreg [dreg:$0x1];
	p0 =	sne.s32 s2, $0x0  }
0xf1: {  	s3 =	rddreg [dreg:$0x2];
	[bflag:$0x3] =	sbarrier.arrive $0xFFFF;
	s2 =	simm.s32 @!p0 $0x1C06  }
0xf2: {  	[timem:s3], [sflag:s2] =	dma.local @!p0 [hbm:s0], s1  }
0xf3: {  	s0 =	simm.s32 @!p0 $0x6  }
0xf4: {  	_ =	swait.ge @!p0 [sflag:s0], s1  }
0xf5: {  	s1 =	ssub.s32 @!p0 $0x0, s1;
	[sflag:s0] =	ssyncset.done @!p0 $0x0  }
0xf6: {  	[sflag:s0] =	ssyncadd.s32 @!p0 s1  }
0xf7: {  	[bflag:$0x3] =	sbarrier.arrive $0xFFFF  }
0xf8: {  	_ =	shalt  }

</sc_bundles>
